<compile_context>
chip_gen: v7x
topology: tpu7x:2x2x1
jax: 0.10.2.dev20260603
libtpu: 0.0.44.dev20260713+nightly
codegen_flags: <defaults>
</compile_context>

<pallas_src>
import functools

import jax
import jax.numpy as jnp
from jax import lax
from jax.experimental import pallas as pl
from jax.experimental.pallas import tpu as pltpu
from jax.experimental.pallas import tpu_sc as plsc

_EPS = 0.1
_N, _C, _W = 8192, 32000, 5
_NC, _NS, _L = 2, 16, 16
_NW = _NC * _NS
_RPW = _N // _NW
_TGT = _RPW
_WIN = _RPW * _W
_TOT = _TGT + _WIN
_CH = 128
_NCH = _TOT // _CH
_VPC = _CH // _L
_TPC = 1024
_ROWT = (_C // 128) * _TPC


def _loss_body(pred_hbm, tgt_hbm, smt_hbm, out_hbm,
               tgt_v, sm_v, idx_v, val_v, part_v, sem_i, sem_g):
    cid = lax.axis_index("c")
    sid = lax.axis_index("s")
    wid = sid * _NC + cid
    base = wid * _RPW

    cp_t = pltpu.async_copy(tgt_hbm.at[pl.ds(base, _RPW)], tgt_v, sem_i)
    cp_s = [
        pltpu.async_copy(smt_hbm.at[pl.ds(w * _N + base, _RPW)],
                         sm_v.at[pl.ds(w * _RPW, _RPW)], sem_i)
        for w in range(_W)
    ]

    lanes = lax.iota(jnp.int32, _L)
    row_part = (base >> 3) * _ROWT
    lane_rvec = (lanes >> 3) * _ROWT + (lanes & 7) * 128

    def make_body(col_ref, idx_off, ch_off):
        def body(k, carry):
            j16 = k * _L
            rvec16 = (k & (_RPW // _L - 1)) * (2 * _ROWT)
            cols = col_ref[pl.ds(j16, _L)]
            ci = cols & 127
            idx_v[pl.ds(idx_off + j16, _L)] = (
                row_part + rvec16 + lane_rvec + ((cols - ci) << 3) + ci)

            @pl.when((k & (_VPC - 1)) == _VPC - 1)
            def _():
                c = ch_off + (k >> 3)
                pltpu.async_copy(
                    pred_hbm.at[idx_v.at[pl.ds(c * _CH, _CH)]],
                    val_v.at[pl.ds(c * _CH, _CH)], sem_g.at[c])

            return carry
        return body

    cp_t.wait()
    lax.fori_loop(0, _TGT // _L, make_body(tgt_v, 0, 0), 0)
    for cp in cp_s:
        cp.wait()
    lax.fori_loop(0, _WIN // _L, make_body(sm_v, _TGT, _TGT // _CH), 0)

    def dbody(c, accs):
        acc_t, acc_w = accs
        pltpu.make_async_copy(
            pred_hbm.at[idx_v.at[pl.ds(c * _CH, _CH)]],
            val_v.at[pl.ds(c * _CH, _CH)], sem_g.at[c]).wait()
        ch = jnp.zeros((_L,), jnp.float32)
        for k in range(_VPC):
            ch = ch + val_v[pl.ds(c * _CH + k * _L, _L)]
        zero = jnp.zeros((_L,), jnp.float32)
        is_t = c < _TGT // _CH
        return (acc_t + jnp.where(is_t, ch, zero),
                acc_w + jnp.where(is_t, zero, ch))

    acc_t, acc_w = lax.fori_loop(
        0, _NCH, dbody,
        (jnp.zeros((_L,), jnp.float32), jnp.zeros((_L,), jnp.float32)))
    part_v[...] = -(acc_t * ((1.0 - _EPS) / _N) + acc_w * (_EPS / (_N * _W)))
    pltpu.sync_copy(part_v, out_hbm.at[wid])


@functools.partial(
    pl.kernel,
    out_type=jax.ShapeDtypeStruct((_NW, _L), jnp.float32),
    mesh=plsc.VectorSubcoreMesh(core_axis_name="c", subcore_axis_name="s"),
    scratch_types=[
        pltpu.VMEM((_TGT,), jnp.int32),
        pltpu.VMEM((_WIN,), jnp.int32),
        pltpu.VMEM((_TOT,), jnp.int32),
        pltpu.VMEM((_TOT,), jnp.float32),
        pltpu.VMEM((_L,), jnp.float32),
        pltpu.SemaphoreType.DMA,
        pltpu.SemaphoreType.DMA((_NCH,)),
    ],
)
def _sc_loss(pred_hbm, tgt_hbm, smt_hbm, out_hbm,
             tgt_v, sm_v, idx_v, val_v, part_v, sem_i, sem_g):
    _loss_body(pred_hbm, tgt_hbm, smt_hbm, out_hbm,
               tgt_v, sm_v, idx_v, val_v, part_v, sem_i, sem_g)


def kernel(pred, target, smooth_idx):
    pred_flat = (pred.reshape(_N // 8, 8, _C // 128, 128)
                 .transpose(0, 2, 1, 3)
                 .reshape(-1))
    tgt = target.astype(jnp.int32)
    smt = smooth_idx.astype(jnp.int32).T.reshape(-1)
    parts = _sc_loss(pred_flat, tgt, smt)
    return jnp.sum(parts)

# --- scband reference (transcript-rebuilt; emitter-appended) ---
"""Pipeline reference for scband-window-smoothed-nllloss-51436528337744 (READ-ONLY COPY).

The authoritative reference and input builder live on the scoring server;
editing this copy changes nothing except your own understanding.
"""

import jax, jax.numpy as jnp
import numpy as np

EPS = 0.1

def setup_inputs(seed: int = 0) -> dict:
    key = jax.random.key(seed)
    k1, k2, k3 = jax.random.split(key, 3)
    N, C, W = 8192, 32000, 5
    pred = jax.random.normal(k1, (N, C), dtype=jnp.float32)
    target = jax.random.randint(k2, (N,), 0, C, dtype=jnp.int64) if jax.config.jax_enable_x64 else jax.random.randint(k2, (N,), 0, C, dtype=jnp.int32)
    smooth_idx = jax.random.randint(k3, (N, W), 0, C, dtype=jnp.int32)
    return {"pred": pred, "target": target, "smooth_idx": smooth_idx}

def reference(pred, target, smooth_idx):
    N, W = smooth_idx.shape
    idx1 = jnp.arange(N)
    # pred[idx1, target]: gather one log-prob per row at the target class
    term_target = pred[idx1, target].mean()
    # pred[idx2, smooth_idx]: gather W log-probs per row at the window indices
    term_window = jnp.take_along_axis(pred, smooth_idx, axis=1).mean()
    neg_loss = (1.0 - EPS) * term_target + EPS * term_window
    return -neg_loss

if __name__ == "__main__":
    import jax
    _d = setup_inputs()
    print(jax.jit(kernel)(*tuple(_d.values())))

</pallas_src>

<mosaic_0001>
#map = affine_map<(d0, d1) -> (0)>
#map1 = affine_map<(d0, d1) -> (0, 0)>
module attributes {stable_mosaic.version = 14 : i64} {
  func.func @_sc_loss(%arg0: i32, %arg1: i32, %arg2: memref<262144000xf32, #tpu.memory_space<hbm>>, %arg3: memref<8192xi32, #tpu.memory_space<hbm>>, %arg4: memref<40960xi32, #tpu.memory_space<hbm>>, %arg5: memref<32x16xf32, #tpu.memory_space<hbm>>, %arg6: memref<256xi32, #tpu.memory_space<vmem>>, %arg7: memref<1280xi32, #tpu.memory_space<vmem>>, %arg8: memref<1536xi32, #tpu.memory_space<vmem>>, %arg9: memref<1536xf32, #tpu.memory_space<vmem>>, %arg10: memref<16xf32, #tpu.memory_space<vmem>>, %arg11: memref<!tpu.dma_semaphore, #tpu.memory_space<semaphore_mem>>, %arg12: memref<12x!tpu.dma_semaphore, #tpu.memory_space<semaphore_mem>>) attributes {dimension_semantics = [#tpu.dimension_semantics<core_parallel>, #tpu.dimension_semantics<subcore_parallel>], iteration_bounds = array<i64: 2, 16>, scalar_prefetch = 0 : i64, scratch_operands = 7 : i64, tpu.core_type = #tpu.core_type<sc_vector_subcore>, window_params = [{transform_indices = #map}, {transform_indices = #map}, {transform_indices = #map}, {transform_indices = #map1}]} {
    %mul3A = arith.constant 2 : i32
    %mul3A_0 = arith.muli %arg1, %mul3A : i32
    %add3A = arith.addi %mul3A_0, %arg0 : i32
    %mul3A_1 = arith.constant 256 : i32
    %mul3A_2 = arith.muli %add3A, %mul3A_1 : i32
    %dma_start3A = tpu.memref_slice %arg3[%mul3A_2] : memref<8192xi32, #tpu.memory_space<hbm>> -> memref<256xi32, #tpu.memory_space<hbm>>
    %dma_start3A_3 = tpu.memref_slice %arg3[%mul3A_2] : memref<8192xi32, #tpu.memory_space<hbm>> -> memref<256xi32, #tpu.memory_space<hbm>>
    tpu.enqueue_dma source(%dma_start3A_3 : memref<256xi32, #tpu.memory_space<hbm>>) target(%arg6 : memref<256xi32, #tpu.memory_space<vmem>>) target_semaphore(%arg11 : memref<!tpu.dma_semaphore, #tpu.memory_space<semaphore_mem>>)
    %add3A_4 = arith.constant 0 : i32
    %add3A_5 = arith.addi %add3A_4, %mul3A_2 : i32
    %dma_start3A_6 = arith.constant 0 : i32
    %dma_start3A_7 = tpu.memref_slice %arg7[%dma_start3A_6] : memref<1280xi32, #tpu.memory_space<vmem>> -> memref<256xi32, #tpu.memory_space<vmem>>
    %dma_start3A_8 = tpu.memref_slice %arg4[%add3A_5] : memref<40960xi32, #tpu.memory_space<hbm>> -> memref<256xi32, #tpu.memory_space<hbm>>
    %dma_start3A_9 = arith.constant 0 : i32
    %dma_start3A_10 = tpu.memref_slice %arg7[%dma_start3A_9] : memref<1280xi32, #tpu.memory_space<vmem>> -> memref<256xi32, #tpu.memory_space<vmem>>
    %dma_start3A_11 = tpu.memref_slice %arg4[%add3A_5] : memref<40960xi32, #tpu.memory_space<hbm>> -> memref<256xi32, #tpu.memory_space<hbm>>
    tpu.enqueue_dma source(%dma_start3A_11 : memref<256xi32, #tpu.memory_space<hbm>>) target(%dma_start3A_10 : memref<256xi32, #tpu.memory_space<vmem>>) target_semaphore(%arg11 : memref<!tpu.dma_semaphore, #tpu.memory_space<semaphore_mem>>)
    %add3A_12 = arith.constant 8192 : i32
    %add3A_13 = arith.addi %add3A_12, %mul3A_2 : i32
    %dma_start3A_14 = arith.constant 256 : i32
    %dma_start3A_15 = tpu.memref_slice %arg7[%dma_start3A_14] : memref<1280xi32, #tpu.memory_space<vmem>> -> memref<256xi32, #tpu.memory_space<vmem>>
    %dma_start3A_16 = tpu.memref_slice %arg4[%add3A_13] : memref<40960xi32, #tpu.memory_space<hbm>> -> memref<256xi32, #tpu.memory_space<hbm>>
    %dma_start3A_17 = arith.constant 256 : i32
    %dma_start3A_18 = tpu.memref_slice %arg7[%dma_start3A_17] : memref<1280xi32, #tpu.memory_space<vmem>> -> memref<256xi32, #tpu.memory_space<vmem>>
    %dma_start3A_19 = tpu.memref_slice %arg4[%add3A_13] : memref<40960xi32, #tpu.memory_space<hbm>> -> memref<256xi32, #tpu.memory_space<hbm>>
    tpu.enqueue_dma source(%dma_start3A_19 : memref<256xi32, #tpu.memory_space<hbm>>) target(%dma_start3A_18 : memref<256xi32, #tpu.memory_space<vmem>>) target_semaphore(%arg11 : memref<!tpu.dma_semaphore, #tpu.memory_space<semaphore_mem>>)
    %add3A_20 = arith.constant 16384 : i32
    %add3A_21 = arith.addi %add3A_20, %mul3A_2 : i32
    %dma_start3A_22 = arith.constant 512 : i32
    %dma_start3A_23 = tpu.memref_slice %arg7[%dma_start3A_22] : memref<1280xi32, #tpu.memory_space<vmem>> -> memref<256xi32, #tpu.memory_space<vmem>>
    %dma_start3A_24 = tpu.memref_slice %arg4[%add3A_21] : memref<40960xi32, #tpu.memory_space<hbm>> -> memref<256xi32, #tpu.memory_space<hbm>>
    %dma_start3A_25 = arith.constant 512 : i32
    %dma_start3A_26 = tpu.memref_slice %arg7[%dma_start3A_25] : memref<1280xi32, #tpu.memory_space<vmem>> -> memref<256xi32, #tpu.memory_space<vmem>>
    %dma_start3A_27 = tpu.memref_slice %arg4[%add3A_21] : memref<40960xi32, #tpu.memory_space<hbm>> -> memref<256xi32, #tpu.memory_space<hbm>>
    tpu.enqueue_dma source(%dma_start3A_27 : memref<256xi32, #tpu.memory_space<hbm>>) target(%dma_start3A_26 : memref<256xi32, #tpu.memory_space<vmem>>) target_semaphore(%arg11 : memref<!tpu.dma_semaphore, #tpu.memory_space<semaphore_mem>>)
    %add3A_28 = arith.constant 24576 : i32
    %add3A_29 = arith.addi %add3A_28, %mul3A_2 : i32
    %dma_start3A_30 = arith.constant 768 : i32
    %dma_start3A_31 = tpu.memref_slice %arg7[%dma_start3A_30] : memref<1280xi32, #tpu.memory_space<vmem>> -> memref<256xi32, #tpu.memory_space<vmem>>
    %dma_start3A_32 = tpu.memref_slice %arg4[%add3A_29] : memref<40960xi32, #tpu.memory_space<hbm>> -> memref<256xi32, #tpu.memory_space<hbm>>
    %dma_start3A_33 = arith.constant 768 : i32
    %dma_start3A_34 = tpu.memref_slice %arg7[%dma_start3A_33] : memref<1280xi32, #tpu.memory_space<vmem>> -> memref<256xi32, #tpu.memory_space<vmem>>
    %dma_start3A_35 = tpu.memref_slice %arg4[%add3A_29] : memref<40960xi32, #tpu.memory_space<hbm>> -> memref<256xi32, #tpu.memory_space<hbm>>
    tpu.enqueue_dma source(%dma_start3A_35 : memref<256xi32, #tpu.memory_space<hbm>>) target(%dma_start3A_34 : memref<256xi32, #tpu.memory_space<vmem>>) target_semaphore(%arg11 : memref<!tpu.dma_semaphore, #tpu.memory_space<semaphore_mem>>)
    %add3A_36 = arith.constant 32768 : i32
    %add3A_37 = arith.addi %add3A_36, %mul3A_2 : i32
    %dma_start3A_38 = arith.constant 1024 : i32
    %dma_start3A_39 = tpu.memref_slice %arg7[%dma_start3A_38] : memref<1280xi32, #tpu.memory_space<vmem>> -> memref<256xi32, #tpu.memory_space<vmem>>
    %dma_start3A_40 = tpu.memref_slice %arg4[%add3A_37] : memref<40960xi32, #tpu.memory_space<hbm>> -> memref<256xi32, #tpu.memory_space<hbm>>
    %dma_start3A_41 = arith.constant 1024 : i32
    %dma_start3A_42 = tpu.memref_slice %arg7[%dma_start3A_41] : memref<1280xi32, #tpu.memory_space<vmem>> -> memref<256xi32, #tpu.memory_space<vmem>>
    %dma_start3A_43 = tpu.memref_slice %arg4[%add3A_37] : memref<40960xi32, #tpu.memory_space<hbm>> -> memref<256xi32, #tpu.memory_space<hbm>>
    tpu.enqueue_dma source(%dma_start3A_43 : memref<256xi32, #tpu.memory_space<hbm>>) target(%dma_start3A_42 : memref<256xi32, #tpu.memory_space<vmem>>) target_semaphore(%arg11 : memref<!tpu.dma_semaphore, #tpu.memory_space<semaphore_mem>>)
    %iota3A = tpu.iota {dimensions = array<i32: 0>} : vector<16xi32>
    %shift_right_arithmetic3A = arith.constant 3 : i32
    %shift_right_arithmetic3A_44 = arith.shrsi %mul3A_2, %shift_right_arithmetic3A : i32
    %mul3A_45 = arith.constant 256000 : i32
    %mul3A_46 = arith.muli %shift_right_arithmetic3A_44, %mul3A_45 : i32
    %shift_right_arithmetic3A_47 = arith.constant 3 : i32
    %shift_right_arithmetic3A_48 = vector.broadcast %shift_right_arithmetic3A_47 : i32 to vector<16xi32>
    %shift_right_arithmetic3A_49 = arith.shrsi %iota3A, %shift_right_arithmetic3A_48 : vector<16xi32>
    %mul3A_50 = arith.constant 256000 : i32
    %mul3A_51 = vector.broadcast %mul3A_50 : i32 to vector<16xi32>
    %mul3A_52 = arith.muli %shift_right_arithmetic3A_49, %mul3A_51 : vector<16xi32>
    %and3A = arith.constant 7 : i32
    %and3A_53 = vector.broadcast %and3A : i32 to vector<16xi32>
    %and3A_54 = arith.andi %iota3A, %and3A_53 : vector<16xi32>
    %mul3A_55 = arith.constant 128 : i32
    %mul3A_56 = vector.broadcast %mul3A_55 : i32 to vector<16xi32>
    %mul3A_57 = arith.muli %and3A_54, %mul3A_56 : vector<16xi32>
    %add3A_58 = arith.addi %mul3A_52, %mul3A_57 : vector<16xi32>
    %dma_wait3A = tpu.memref_slice %arg3[%mul3A_2] : memref<8192xi32, #tpu.memory_space<hbm>> -> memref<256xi32, #tpu.memory_space<hbm>>
    %dma_wait3A_59 = tpu.memref_slice %arg3[%mul3A_2] : memref<8192xi32, #tpu.memory_space<hbm>> -> memref<256xi32, #tpu.memory_space<hbm>>
    tpu.wait_dma2 semaphore(%arg11 : memref<!tpu.dma_semaphore, #tpu.memory_space<semaphore_mem>>) src(%dma_wait3A_59 : memref<256xi32, #tpu.memory_space<hbm>>) dst(%arg6 : memref<256xi32, #tpu.memory_space<vmem>>)
    %scan3A = arith.constant 0 : i32
    %scan3A_60 = arith.constant 0 : i32
    %scan3A_61 = arith.constant 16 : i32
    %scan3A_62 = arith.addi %scan3A_60, %scan3A_61 : i32
    %scan3A_63 = arith.constant 1 : i32
    scf.for %scan3A_122 = %scan3A_60 to %scan3A_62 step %scan3A_63  : i32 {
      %mul3A_123 = arith.constant 16 : i32
      %mul3A_124 = arith.muli %scan3A_122, %mul3A_123 : i32
      %and3A_125 = arith.constant 15 : i32
      %and3A_126 = arith.andi %scan3A_122, %and3A_125 : i32
      %mul3A_127 = arith.constant 512000 : i32
      %mul3A_128 = arith.muli %and3A_126, %mul3A_127 : i32
      %get3A = arith.index_cast %mul3A_124 : i32 to index
      %get3A_129 = tpu.vector_load %arg6[%get3A] {strides = array<i32>} : memref<256xi32, #tpu.memory_space<vmem>>, vector<16xi32>,
      %get3A_130 = vector.shape_cast %get3A_129 : vector<16xi32> to vector<16xi32>
      %and3A_131 = arith.constant 127 : i32
      %and3A_132 = vector.broadcast %and3A_131 : i32 to vector<16xi32>
      %and3A_133 = arith.andi %get3A_130, %and3A_132 : vector<16xi32>
      %add3A_134 = arith.addi %mul3A_46, %mul3A_128 : i32
      %add3A_135 = vector.broadcast %add3A_134 : i32 to vector<16xi32>
      %add3A_136 = arith.addi %add3A_135, %add3A_58 : vector<16xi32>
      %sub3A = arith.subi %get3A_130, %and3A_133 : vector<16xi32>
      %shift_left3A = arith.constant 3 : i32
      %shift_left3A_137 = vector.broadcast %shift_left3A : i32 to vector<16xi32>
      %shift_left3A_138 = arith.shli %sub3A, %shift_left3A_137 : vector<16xi32>
      %add3A_139 = arith.addi %add3A_136, %shift_left3A_138 : vector<16xi32>
      %add3A_140 = arith.addi %add3A_139, %and3A_133 : vector<16xi32>
      %add3A_141 = arith.constant 0 : i32
      %add3A_142 = arith.addi %add3A_141, %mul3A_124 : i32
      %swap3A_143 = arith.index_cast %add3A_142 : i32 to index
      %swap3A_144 = tpu.vector_load %arg8[%swap3A_143] {strides = array<i32>} : memref<1536xi32, #tpu.memory_space<vmem>>, vector<16xi32>,
      %swap3A_145 = vector.shape_cast %swap3A_144 : vector<16xi32> to vector<16xi32>
      %swap3A_146 = vector.shape_cast %add3A_140 : vector<16xi32> to vector<16xi32>
      tpu.vector_store %arg8[%swap3A_143], %swap3A_146 {strides = array<i32>} : memref<1536xi32, #tpu.memory_space<vmem>>, vector<16xi32>,
      %and3A_147 = arith.constant 7 : i32
      %and3A_148 = arith.andi %scan3A_122, %and3A_147 : i32
      %eq3A = arith.constant 7 : i32
      %eq3A_149 = arith.cmpi eq, %and3A_148, %eq3A : i32
      %convert_element_type3A = arith.extui %eq3A_149 : i1 to i32
      %cond3A = arith.constant 0 : i32
      %cond3A_150 = arith.cmpi ne, %convert_element_type3A, %cond3A : i32
      scf.if %cond3A_150 {
        %shift_right_arithmetic3A_151 = arith.constant 3 : i32
        %shift_right_arithmetic3A_152 = arith.shrsi %scan3A_122, %shift_right_arithmetic3A_151 : i32
        %add3A_153 = arith.constant 0 : i32
        %add3A_154 = arith.addi %add3A_153, %shift_right_arithmetic3A_152 : i32
        %mul3A_155 = arith.constant 128 : i32
        %mul3A_156 = arith.muli %add3A_154, %mul3A_155 : i32
        %mul3A_157 = arith.constant 128 : i32
        %mul3A_158 = arith.muli %add3A_154, %mul3A_157 : i32
        %dma_start3A_159 = tpu.memref_slice %arg9[%mul3A_158] : memref<1536xf32, #tpu.memory_space<vmem>> -> memref<128xf32, #tpu.memory_space<vmem>>
        %dma_start3A_160 = tpu.memref_slice %arg8[%mul3A_156] : memref<1536xi32, #tpu.memory_space<vmem>> -> memref<128xi32, #tpu.memory_space<vmem>>
        %dma_start3A_161 = arith.constant 0 : i32
        %dma_start3A_162 = tpu.memref_slice %arg2[%dma_start3A_161] : memref<262144000xf32, #tpu.memory_space<hbm>> -> memref<262144000xf32, #tpu.memory_space<hbm>>
        %dma_start3A_163 = tpu.memref_slice %arg12[%add3A_154] : memref<12x!tpu.dma_semaphore, #tpu.memory_space<semaphore_mem>> -> memref<1x!tpu.dma_semaphore, #tpu.memory_space<semaphore_mem>>
        %dma_start3A_164 = tpu.memref_squeeze %dma_start3A_163 : memref<1x!tpu.dma_semaphore, #tpu.memory_space<semaphore_mem>> -> memref<!tpu.dma_semaphore, #tpu.memory_space<semaphore_mem>>
        tpu.enqueue_indirect_dma source(%dma_start3A_162 : memref<262144000xf32, #tpu.memory_space<hbm>>) target(%dma_start3A_159 : memref<128xf32, #tpu.memory_space<vmem>>) offsets(%dma_start3A_160 : memref<128xi32, #tpu.memory_space<vmem>>) semaphore(%dma_start3A_164 : memref<!tpu.dma_semaphore, #tpu.memory_space<semaphore_mem>>)
      } else {
      }
    }
    %scan3A_64 = arith.constant 16 : i32
    %dma_wait3A_65 = arith.constant 0 : i32
    %dma_wait3A_66 = tpu.memref_slice %arg7[%dma_wait3A_65] : memref<1280xi32, #tpu.memory_space<vmem>> -> memref<256xi32, #tpu.memory_space<vmem>>
    %dma_wait3A_67 = tpu.memref_slice %arg4[%add3A_5] : memref<40960xi32, #tpu.memory_space<hbm>> -> memref<256xi32, #tpu.memory_space<hbm>>
    %dma_wait3A_68 = arith.constant 0 : i32
    %dma_wait3A_69 = tpu.memref_slice %arg7[%dma_wait3A_68] : memref<1280xi32, #tpu.memory_space<vmem>> -> memref<256xi32, #tpu.memory_space<vmem>>
    %dma_wait3A_70 = tpu.memref_slice %arg4[%add3A_5] : memref<40960xi32, #tpu.memory_space<hbm>> -> memref<256xi32, #tpu.memory_space<hbm>>
    tpu.wait_dma2 semaphore(%arg11 : memref<!tpu.dma_semaphore, #tpu.memory_space<semaphore_mem>>) src(%dma_wait3A_70 : memref<256xi32, #tpu.memory_space<hbm>>) dst(%dma_wait3A_69 : memref<256xi32, #tpu.memory_space<vmem>>)
    %dma_wait3A_71 = arith.constant 256 : i32
    %dma_wait3A_72 = tpu.memref_slice %arg7[%dma_wait3A_71] : memref<1280xi32, #tpu.memory_space<vmem>> -> memref<256xi32, #tpu.memory_space<vmem>>
    %dma_wait3A_73 = tpu.memref_slice %arg4[%add3A_13] : memref<40960xi32, #tpu.memory_space<hbm>> -> memref<256xi32, #tpu.memory_space<hbm>>
    %dma_wait3A_74 = arith.constant 256 : i32
    %dma_wait3A_75 = tpu.memref_slice %arg7[%dma_wait3A_74] : memref<1280xi32, #tpu.memory_space<vmem>> -> memref<256xi32, #tpu.memory_space<vmem>>
    %dma_wait3A_76 = tpu.memref_slice %arg4[%add3A_13] : memref<40960xi32, #tpu.memory_space<hbm>> -> memref<256xi32, #tpu.memory_space<hbm>>
    tpu.wait_dma2 semaphore(%arg11 : memref<!tpu.dma_semaphore, #tpu.memory_space<semaphore_mem>>) src(%dma_wait3A_76 : memref<256xi32, #tpu.memory_space<hbm>>) dst(%dma_wait3A_75 : memref<256xi32, #tpu.memory_space<vmem>>)
    %dma_wait3A_77 = arith.constant 512 : i32
    %dma_wait3A_78 = tpu.memref_slice %arg7[%dma_wait3A_77] : memref<1280xi32, #tpu.memory_space<vmem>> -> memref<256xi32, #tpu.memory_space<vmem>>
    %dma_wait3A_79 = tpu.memref_slice %arg4[%add3A_21] : memref<40960xi32, #tpu.memory_space<hbm>> -> memref<256xi32, #tpu.memory_space<hbm>>
    %dma_wait3A_80 = arith.constant 512 : i32
    %dma_wait3A_81 = tpu.memref_slice %arg7[%dma_wait3A_80] : memref<1280xi32, #tpu.memory_space<vmem>> -> memref<256xi32, #tpu.memory_space<vmem>>
    %dma_wait3A_82 = tpu.memref_slice %arg4[%add3A_21] : memref<40960xi32, #tpu.memory_space<hbm>> -> memref<256xi32, #tpu.memory_space<hbm>>
    tpu.wait_dma2 semaphore(%arg11 : memref<!tpu.dma_semaphore, #tpu.memory_space<semaphore_mem>>) src(%dma_wait3A_82 : memref<256xi32, #tpu.memory_space<hbm>>) dst(%dma_wait3A_81 : memref<256xi32, #tpu.memory_space<vmem>>)
    %dma_wait3A_83 = arith.constant 768 : i32
    %dma_wait3A_84 = tpu.memref_slice %arg7[%dma_wait3A_83] : memref<1280xi32, #tpu.memory_space<vmem>> -> memref<256xi32, #tpu.memory_space<vmem>>
    %dma_wait3A_85 = tpu.memref_slice %arg4[%add3A_29] : memref<40960xi32, #tpu.memory_space<hbm>> -> memref<256xi32, #tpu.memory_space<hbm>>
    %dma_wait3A_86 = arith.constant 768 : i32
    %dma_wait3A_87 = tpu.memref_slice %arg7[%dma_wait3A_86] : memref<1280xi32, #tpu.memory_space<vmem>> -> memref<256xi32, #tpu.memory_space<vmem>>
    %dma_wait3A_88 = tpu.memref_slice %arg4[%add3A_29] : memref<40960xi32, #tpu.memory_space<hbm>> -> memref<256xi32, #tpu.memory_space<hbm>>
    tpu.wait_dma2 semaphore(%arg11 : memref<!tpu.dma_semaphore, #tpu.memory_space<semaphore_mem>>) src(%dma_wait3A_88 : memref<256xi32, #tpu.memory_space<hbm>>) dst(%dma_wait3A_87 : memref<256xi32, #tpu.memory_space<vmem>>)
    %dma_wait3A_89 = arith.constant 1024 : i32
    %dma_wait3A_90 = tpu.memref_slice %arg7[%dma_wait3A_89] : memref<1280xi32, #tpu.memory_space<vmem>> -> memref<256xi32, #tpu.memory_space<vmem>>
    %dma_wait3A_91 = tpu.memref_slice %arg4[%add3A_37] : memref<40960xi32, #tpu.memory_space<hbm>> -> memref<256xi32, #tpu.memory_space<hbm>>
    %dma_wait3A_92 = arith.constant 1024 : i32
    %dma_wait3A_93 = tpu.memref_slice %arg7[%dma_wait3A_92] : memref<1280xi32, #tpu.memory_space<vmem>> -> memref<256xi32, #tpu.memory_space<vmem>>
    %dma_wait3A_94 = tpu.memref_slice %arg4[%add3A_37] : memref<40960xi32, #tpu.memory_space<hbm>> -> memref<256xi32, #tpu.memory_space<hbm>>
    tpu.wait_dma2 semaphore(%arg11 : memref<!tpu.dma_semaphore, #tpu.memory_space<semaphore_mem>>) src(%dma_wait3A_94 : memref<256xi32, #tpu.memory_space<hbm>>) dst(%dma_wait3A_93 : memref<256xi32, #tpu.memory_space<vmem>>)
    %scan3A_95 = arith.constant 0 : i32
    %scan3A_96 = arith.constant 0 : i32
    %scan3A_97 = arith.constant 80 : i32
    %scan3A_98 = arith.addi %scan3A_96, %scan3A_97 : i32
    %scan3A_99 = arith.constant 1 : i32
    scf.for %scan3A_122 = %scan3A_96 to %scan3A_98 step %scan3A_99  : i32 {
      %mul3A_123 = arith.constant 16 : i32
      %mul3A_124 = arith.muli %scan3A_122, %mul3A_123 : i32
      %and3A_125 = arith.constant 15 : i32
      %and3A_126 = arith.andi %scan3A_122, %and3A_125 : i32
      %mul3A_127 = arith.constant 512000 : i32
      %mul3A_128 = arith.muli %and3A_126, %mul3A_127 : i32
      %get3A = arith.index_cast %mul3A_124 : i32 to index
      %get3A_129 = tpu.vector_load %arg7[%get3A] {strides = array<i32>} : memref<1280xi32, #tpu.memory_space<vmem>>, vector<16xi32>,
      %get3A_130 = vector.shape_cast %get3A_129 : vector<16xi32> to vector<16xi32>
      %and3A_131 = arith.constant 127 : i32
      %and3A_132 = vector.broadcast %and3A_131 : i32 to vector<16xi32>
      %and3A_133 = arith.andi %get3A_130, %and3A_132 : vector<16xi32>
      %add3A_134 = arith.addi %mul3A_46, %mul3A_128 : i32
      %add3A_135 = vector.broadcast %add3A_134 : i32 to vector<16xi32>
      %add3A_136 = arith.addi %add3A_135, %add3A_58 : vector<16xi32>
      %sub3A = arith.subi %get3A_130, %and3A_133 : vector<16xi32>
      %shift_left3A = arith.constant 3 : i32
      %shift_left3A_137 = vector.broadcast %shift_left3A : i32 to vector<16xi32>
      %shift_left3A_138 = arith.shli %sub3A, %shift_left3A_137 : vector<16xi32>
      %add3A_139 = arith.addi %add3A_136, %shift_left3A_138 : vector<16xi32>
      %add3A_140 = arith.addi %add3A_139, %and3A_133 : vector<16xi32>
      %add3A_141 = arith.constant 256 : i32
      %add3A_142 = arith.addi %add3A_141, %mul3A_124 : i32
      %swap3A_143 = arith.index_cast %add3A_142 : i32 to index
      %swap3A_144 = tpu.vector_load %arg8[%swap3A_143] {strides = array<i32>} : memref<1536xi32, #tpu.memory_space<vmem>>, vector<16xi32>,
      %swap3A_145 = vector.shape_cast %swap3A_144 : vector<16xi32> to vector<16xi32>
      %swap3A_146 = vector.shape_cast %add3A_140 : vector<16xi32> to vector<16xi32>
      tpu.vector_store %arg8[%swap3A_143], %swap3A_146 {strides = array<i32>} : memref<1536xi32, #tpu.memory_space<vmem>>, vector<16xi32>,
      %and3A_147 = arith.constant 7 : i32
      %and3A_148 = arith.andi %scan3A_122, %and3A_147 : i32
      %eq3A = arith.constant 7 : i32
      %eq3A_149 = arith.cmpi eq, %and3A_148, %eq3A : i32
      %convert_element_type3A = arith.extui %eq3A_149 : i1 to i32
      %cond3A = arith.constant 0 : i32
      %cond3A_150 = arith.cmpi ne, %convert_element_type3A, %cond3A : i32
      scf.if %cond3A_150 {
        %shift_right_arithmetic3A_151 = arith.constant 3 : i32
        %shift_right_arithmetic3A_152 = arith.shrsi %scan3A_122, %shift_right_arithmetic3A_151 : i32
        %add3A_153 = arith.constant 2 : i32
        %add3A_154 = arith.addi %add3A_153, %shift_right_arithmetic3A_152 : i32
        %mul3A_155 = arith.constant 128 : i32
        %mul3A_156 = arith.muli %add3A_154, %mul3A_155 : i32
        %mul3A_157 = arith.constant 128 : i32
        %mul3A_158 = arith.muli %add3A_154, %mul3A_157 : i32
        %dma_start3A_159 = tpu.memref_slice %arg9[%mul3A_158] : memref<1536xf32, #tpu.memory_space<vmem>> -> memref<128xf32, #tpu.memory_space<vmem>>
        %dma_start3A_160 = tpu.memref_slice %arg8[%mul3A_156] : memref<1536xi32, #tpu.memory_space<vmem>> -> memref<128xi32, #tpu.memory_space<vmem>>
        %dma_start3A_161 = arith.constant 0 : i32
        %dma_start3A_162 = tpu.memref_slice %arg2[%dma_start3A_161] : memref<262144000xf32, #tpu.memory_space<hbm>> -> memref<262144000xf32, #tpu.memory_space<hbm>>
        %dma_start3A_163 = tpu.memref_slice %arg12[%add3A_154] : memref<12x!tpu.dma_semaphore, #tpu.memory_space<semaphore_mem>> -> memref<1x!tpu.dma_semaphore, #tpu.memory_space<semaphore_mem>>
        %dma_start3A_164 = tpu.memref_squeeze %dma_start3A_163 : memref<1x!tpu.dma_semaphore, #tpu.memory_space<semaphore_mem>> -> memref<!tpu.dma_semaphore, #tpu.memory_space<semaphore_mem>>
        tpu.enqueue_indirect_dma source(%dma_start3A_162 : memref<262144000xf32, #tpu.memory_space<hbm>>) target(%dma_start3A_159 : memref<128xf32, #tpu.memory_space<vmem>>) offsets(%dma_start3A_160 : memref<128xi32, #tpu.memory_space<vmem>>) semaphore(%dma_start3A_164 : memref<!tpu.dma_semaphore, #tpu.memory_space<semaphore_mem>>)
      } else {
      }
    }
    %scan3A_100 = arith.constant 80 : i32
    %broadcast_in_dim3A = arith.constant 0.000000e+00 : f32
    %broadcast_in_dim3A_101 = vector.broadcast %broadcast_in_dim3A : f32 to vector<16xf32>
    %broadcast_in_dim3A_102 = arith.constant 0.000000e+00 : f32
    %broadcast_in_dim3A_103 = vector.broadcast %broadcast_in_dim3A_102 : f32 to vector<16xf32>
    %scan3A_104 = arith.constant 0 : i32
    %scan3A_105 = arith.constant 12 : i32
    %scan3A_106 = arith.addi %scan3A_104, %scan3A_105 : i32
    %scan3A_107 = arith.constant 1 : i32
    %scan3A_108:2 = scf.for %scan3A_122 = %scan3A_104 to %scan3A_106 step %scan3A_107 iter_args(%scan3A_123 = %broadcast_in_dim3A_101, %scan3A_124 = %broadcast_in_dim3A_103) -> (vector<16xf32>, vector<16xf32>)  : i32 {
      %mul3A_125 = arith.constant 128 : i32
      %mul3A_126 = arith.muli %scan3A_122, %mul3A_125 : i32
      %mul3A_127 = arith.constant 128 : i32
      %mul3A_128 = arith.muli %scan3A_122, %mul3A_127 : i32
      %dma_wait3A_129 = tpu.memref_slice %arg9[%mul3A_128] : memref<1536xf32, #tpu.memory_space<vmem>> -> memref<128xf32, #tpu.memory_space<vmem>>
      %dma_wait3A_130 = tpu.memref_slice %arg8[%mul3A_126] : memref<1536xi32, #tpu.memory_space<vmem>> -> memref<128xi32, #tpu.memory_space<vmem>>
      %dma_wait3A_131 = arith.constant 0 : i32
      %dma_wait3A_132 = tpu.memref_slice %arg2[%dma_wait3A_131] : memref<262144000xf32, #tpu.memory_space<hbm>> -> memref<262144000xf32, #tpu.memory_space<hbm>>
      %dma_wait3A_133 = tpu.memref_slice %arg12[%scan3A_122] : memref<12x!tpu.dma_semaphore, #tpu.memory_space<semaphore_mem>> -> memref<1x!tpu.dma_semaphore, #tpu.memory_space<semaphore_mem>>
      %dma_wait3A_134 = tpu.memref_squeeze %dma_wait3A_133 : memref<1x!tpu.dma_semaphore, #tpu.memory_space<semaphore_mem>> -> memref<!tpu.dma_semaphore, #tpu.memory_space<semaphore_mem>>
      tpu.wait_indirect_dma semaphore(%dma_wait3A_134 : memref<!tpu.dma_semaphore, #tpu.memory_space<semaphore_mem>>) src(%dma_wait3A_132 : memref<262144000xf32, #tpu.memory_space<hbm>>) dst(%dma_wait3A_129 : memref<128xf32, #tpu.memory_space<vmem>>)
      %broadcast_in_dim3A_135 = arith.constant 0.000000e+00 : f32
      %broadcast_in_dim3A_136 = vector.broadcast %broadcast_in_dim3A_135 : f32 to vector<16xf32>
      %mul3A_137 = arith.constant 128 : i32
      %mul3A_138 = arith.muli %scan3A_122, %mul3A_137 : i32
      %add3A_139 = arith.constant 0 : i32
      %add3A_140 = arith.addi %mul3A_138, %add3A_139 : i32
      %get3A = arith.index_cast %add3A_140 : i32 to index
      %get3A_141 = tpu.vector_load %arg9[%get3A] {strides = array<i32>} : memref<1536xf32, #tpu.memory_space<vmem>>, vector<16xf32>,
      %get3A_142 = vector.shape_cast %get3A_141 : vector<16xf32> to vector<16xf32>
      %add3A_143 = arith.addf %broadcast_in_dim3A_136, %get3A_142 : vector<16xf32>
      %mul3A_144 = arith.constant 128 : i32
      %mul3A_145 = arith.muli %scan3A_122, %mul3A_144 : i32
      %add3A_146 = arith.constant 16 : i32
      %add3A_147 = arith.addi %mul3A_145, %add3A_146 : i32
      %get3A_148 = arith.index_cast %add3A_147 : i32 to index
      %get3A_149 = tpu.vector_load %arg9[%get3A_148] {strides = array<i32>} : memref<1536xf32, #tpu.memory_space<vmem>>, vector<16xf32>,
      %get3A_150 = vector.shape_cast %get3A_149 : vector<16xf32> to vector<16xf32>
      %add3A_151 = arith.addf %add3A_143, %get3A_150 : vector<16xf32>
      %mul3A_152 = arith.constant 128 : i32
      %mul3A_153 = arith.muli %scan3A_122, %mul3A_152 : i32
      %add3A_154 = arith.constant 32 : i32
      %add3A_155 = arith.addi %mul3A_153, %add3A_154 : i32
      %get3A_156 = arith.index_cast %add3A_155 : i32 to index
      %get3A_157 = tpu.vector_load %arg9[%get3A_156] {strides = array<i32>} : memref<1536xf32, #tpu.memory_space<vmem>>, vector<16xf32>,
      %get3A_158 = vector.shape_cast %get3A_157 : vector<16xf32> to vector<16xf32>
      %add3A_159 = arith.addf %add3A_151, %get3A_158 : vector<16xf32>
      %mul3A_160 = arith.constant 128 : i32
      %mul3A_161 = arith.muli %scan3A_122, %mul3A_160 : i32
      %add3A_162 = arith.constant 48 : i32
      %add3A_163 = arith.addi %mul3A_161, %add3A_162 : i32
      %get3A_164 = arith.index_cast %add3A_163 : i32 to index
      %get3A_165 = tpu.vector_load %arg9[%get3A_164] {strides = array<i32>} : memref<1536xf32, #tpu.memory_space<vmem>>, vector<16xf32>,
      %get3A_166 = vector.shape_cast %get3A_165 : vector<16xf32> to vector<16xf32>
      %add3A_167 = arith.addf %add3A_159, %get3A_166 : vector<16xf32>
      %mul3A_168 = arith.constant 128 : i32
      %mul3A_169 = arith.muli %scan3A_122, %mul3A_168 : i32
      %add3A_170 = arith.constant 64 : i32
      %add3A_171 = arith.addi %mul3A_169, %add3A_170 : i32
      %get3A_172 = arith.index_cast %add3A_171 : i32 to index
      %get3A_173 = tpu.vector_load %arg9[%get3A_172] {strides = array<i32>} : memref<1536xf32, #tpu.memory_space<vmem>>, vector<16xf32>,
      %get3A_174 = vector.shape_cast %get3A_173 : vector<16xf32> to vector<16xf32>
      %add3A_175 = arith.addf %add3A_167, %get3A_174 : vector<16xf32>
      %mul3A_176 = arith.constant 128 : i32
      %mul3A_177 = arith.muli %scan3A_122, %mul3A_176 : i32
      %add3A_178 = arith.constant 80 : i32
      %add3A_179 = arith.addi %mul3A_177, %add3A_178 : i32
      %get3A_180 = arith.index_cast %add3A_179 : i32 to index
      %get3A_181 = tpu.vector_load %arg9[%get3A_180] {strides = array<i32>} : memref<1536xf32, #tpu.memory_space<vmem>>, vector<16xf32>,
      %get3A_182 = vector.shape_cast %get3A_181 : vector<16xf32> to vector<16xf32>
      %add3A_183 = arith.addf %add3A_175, %get3A_182 : vector<16xf32>
      %mul3A_184 = arith.constant 128 : i32
      %mul3A_185 = arith.muli %scan3A_122, %mul3A_184 : i32
      %add3A_186 = arith.constant 96 : i32
      %add3A_187 = arith.addi %mul3A_185, %add3A_186 : i32
      %get3A_188 = arith.index_cast %add3A_187 : i32 to index
      %get3A_189 = tpu.vector_load %arg9[%get3A_188] {strides = array<i32>} : memref<1536xf32, #tpu.memory_space<vmem>>, vector<16xf32>,
      %get3A_190 = vector.shape_cast %get3A_189 : vector<16xf32> to vector<16xf32>
      %add3A_191 = arith.addf %add3A_183, %get3A_190 : vector<16xf32>
      %mul3A_192 = arith.constant 128 : i32
      %mul3A_193 = arith.muli %scan3A_122, %mul3A_192 : i32
      %add3A_194 = arith.constant 112 : i32
      %add3A_195 = arith.addi %mul3A_193, %add3A_194 : i32
      %get3A_196 = arith.index_cast %add3A_195 : i32 to index
      %get3A_197 = tpu.vector_load %arg9[%get3A_196] {strides = array<i32>} : memref<1536xf32, #tpu.memory_space<vmem>>, vector<16xf32>,
      %get3A_198 = vector.shape_cast %get3A_197 : vector<16xf32> to vector<16xf32>
      %add3A_199 = arith.addf %add3A_191, %get3A_198 : vector<16xf32>
      %broadcast_in_dim3A_200 = arith.constant 0.000000e+00 : f32
      %broadcast_in_dim3A_201 = vector.broadcast %broadcast_in_dim3A_200 : f32 to vector<16xf32>
      %lt3A = arith.constant 2 : i32
      %lt3A_202 = arith.cmpi slt, %scan3A_122, %lt3A : i32
      %select_n3A = arith.select %lt3A_202, %add3A_199, %broadcast_in_dim3A_201 : vector<16xf32>
      %add3A_203 = arith.addf %scan3A_123, %select_n3A : vector<16xf32>
      %select_n3A_204 = arith.select %lt3A_202, %broadcast_in_dim3A_201, %add3A_199 : vector<16xf32>
      %add3A_205 = arith.addf %scan3A_124, %select_n3A_204 : vector<16xf32>
      scf.yield %add3A_203, %add3A_205 : vector<16xf32>, vector<16xf32>
    }
    %scan3A_109 = arith.constant 12 : i32
    %mul3A_110 = arith.constant 1.09863278E-4 : f32
    %mul3A_111 = vector.broadcast %mul3A_110 : f32 to vector<16xf32>
    %mul3A_112 = arith.mulf %scan3A_108#0, %mul3A_111 : vector<16xf32>
    %mul3A_113 = arith.constant 2.4414062E-6 : f32
    %mul3A_114 = vector.broadcast %mul3A_113 : f32 to vector<16xf32>
    %mul3A_115 = arith.mulf %scan3A_108#1, %mul3A_114 : vector<16xf32>
    %add3A_116 = arith.addf %mul3A_112, %mul3A_115 : vector<16xf32>
    %neg3A = arith.constant 0.000000e+00 : f32
    %neg3A_117 = vector.broadcast %neg3A : f32 to vector<16xf32>
    %neg3A_118 = arith.subf %neg3A_117, %add3A_116 : vector<16xf32>
    %swap3A = arith.constant 0 : index
    %swap3A_119 = tpu.vector_load %arg10[%swap3A] {strides = array<i32>} : memref<16xf32, #tpu.memory_space<vmem>>, vector<16xf32>,
    %swap3A_120 = vector.shape_cast %swap3A_119 : vector<16xf32> to vector<16xf32>
    %swap3A_121 = vector.shape_cast %neg3A_118 : vector<16xf32> to vector<16xf32>
    tpu.vector_store %arg10[%swap3A], %swap3A_121 {strides = array<i32>} : memref<16xf32, #tpu.memory_space<vmem>>, vector<16xf32>,
    "tpu.region"() ({
      %run_scoped3A = tpu.sem_alloc : memref<!tpu.dma_semaphore, #tpu.memory_space<semaphore_mem>>
      %dma_start3A_122 = arith.constant 0 : i32
      %dma_start3A_123 = tpu.memref_slice %arg5[%add3A, %dma_start3A_122] : memref<32x16xf32, #tpu.memory_space<hbm>> -> memref<1x16xf32, #tpu.memory_space<hbm>>
      %dma_start3A_124 = tpu.memref_squeeze %dma_start3A_123 : memref<1x16xf32, #tpu.memory_space<hbm>> -> memref<16xf32, #tpu.memory_space<hbm>>
      %dma_start3A_125 = arith.constant 0 : i32
      %dma_start3A_126 = tpu.memref_slice %arg5[%add3A, %dma_start3A_125] : memref<32x16xf32, #tpu.memory_space<hbm>> -> memref<1x16xf32, #tpu.memory_space<hbm>>
      %dma_start3A_127 = tpu.memref_squeeze %dma_start3A_126 : memref<1x16xf32, #tpu.memory_space<hbm>> -> memref<16xf32, #tpu.memory_space<hbm>>
      tpu.enqueue_dma source(%arg10 : memref<16xf32, #tpu.memory_space<vmem>>) target(%dma_start3A_127 : memref<16xf32, #tpu.memory_space<hbm>>) target_semaphore(%run_scoped3A : memref<!tpu.dma_semaphore, #tpu.memory_space<semaphore_mem>>)
      %dma_wait3A_128 = arith.constant 0 : i32
      %dma_wait3A_129 = tpu.memref_slice %arg5[%add3A, %dma_wait3A_128] : memref<32x16xf32, #tpu.memory_space<hbm>> -> memref<1x16xf32, #tpu.memory_space<hbm>>
      %dma_wait3A_130 = tpu.memref_squeeze %dma_wait3A_129 : memref<1x16xf32, #tpu.memory_space<hbm>> -> memref<16xf32, #tpu.memory_space<hbm>>
      %dma_wait3A_131 = arith.constant 0 : i32
      %dma_wait3A_132 = tpu.memref_slice %arg5[%add3A, %dma_wait3A_131] : memref<32x16xf32, #tpu.memory_space<hbm>> -> memref<1x16xf32, #tpu.memory_space<hbm>>
      %dma_wait3A_133 = tpu.memref_squeeze %dma_wait3A_132 : memref<1x16xf32, #tpu.memory_space<hbm>> -> memref<16xf32, #tpu.memory_space<hbm>>
      tpu.wait_dma2 semaphore(%run_scoped3A : memref<!tpu.dma_semaphore, #tpu.memory_space<semaphore_mem>>) src(%arg10 : memref<16xf32, #tpu.memory_space<vmem>>) dst(%dma_wait3A_133 : memref<16xf32, #tpu.memory_space<hbm>>)
      tpu.yield
    }) : () -> ()
    return
  }
}

</mosaic_0001>

<sc_bundles>
// kernel: kernel.3.cloned.1.call-start
scs
__scs_entry_jumppad:
0x0: {  	(pc) =	sbr.rel $0x88, $3  }
0x1: {  	(tag) =	ssettag $0x0;
	lr =	simm.s32 $0x1  }
0x2: {  	[smem:$0x3F9E] =	sst lr;
	_ =	strace $0xD0000000  }
0x3: {  	_ = 	snop  }
0x4: {  	_ = 	snop  }
0x5: {  	_ = 	snop  }
0x6: {  	_ = 	snop  }
0x7: {  	_ = 	snop  }
__scs_overlays_trampoline_lowered:
0x8: {  	[smem:$0x3FAD] =	sst s0  }
0x9: {  	[smem:$0x3FAE] =	sst s1  }
0xa: {  	[smem:$0x3FAF] =	sst s2  }
0xb: {  	[smem:$0x3FB0] =	sst s3  }
0xc: {  	[smem:$0x3FB1] =	sst s4  }
0xd: {  	[smem:$0x3FB2] =	sst s5  }
0xe: {  	[smem:$0x3FB3] =	sst s6  }
0xf: {  	[smem:$0x3FB4] =	sst s7  }
0x10: {  	[smem:$0x3FB5] =	sst s8  }
0x11: {  	[smem:$0x3FB6] =	sst s9;
	s0 =	simm.s32 @!p0 $0x0  }
0x12: {  	s1 =	sld [smem:$0x3F9C];
	s0 =	simm.s32 @p0 $0x1  }
0x13: {  	[smem:$0x3FB7] =	sst s0;
	s0 =	simm.s32 @!p1 $0x0  }
0x14: {  	s2 =	sld [smem:$0x3F9B];
	s0 =	simm.s32 @p1 $0x1  }
0x15: {  	[smem:$0x3FB8] =	sst s0;
	s0 =	simm.s32 @!p2 $0x0  }
0x16: {  	s3 =	sld [smem:$0x3FDB];
	s0 =	simm.s32 @p2 $0x1  }
0x17: {  	s4 =	simm.s32 $0x1BF5;
	[smem:$0x3FBA] =	sst s0  }
0x18: {  	s0 =	sld [smem:$0x3F9D];
	_ =	swait.ge [sflag:s4], $0x0  }
0x19: {  	s7 =	sld [smem:$0x3F9E]  }
0x1a: {  	s8 =	sadd.s32 $0xFFFFE003, lr  }
0x1b: {  	s9 =	sadd.s32 $0xFFFFFEF7, lr;
	s5 =	simm.s32 $0xFFFFFFFF;
	p2 =	slt.u32 s8, $0xFFFFF086  }
0x1c: {  	p1 =	slt.u32 s9, $0xF7A;
	s5 =	simm.s32 @!p2 $0x0  }
0x1d: {  	s5 =	simm.s32 @p1 $0x1;
	p0 =	seq.s32 s7, s2  }
0x1e: {  	s7 =	smul.u32 @!p0 $0xF7A, s2;
	p2 =	seq.s32 @!p0 s5, $0x0  }
0x1f: {  	s9 =	smul.u32 $0xF7A, s1;
	s8 =	simm.s32 @!p0 $0x1BF5;
	p2 =	por !p2, p0  }
0x20: {  	[sflag:s8] =	ssyncset.s32 @!p0 $0xFFFFF086;
	s6 =	sadd.s32 @!p0 s3, s7;
	s7 =	simm.s32 @!p0 $0x108  }
0x21: {  	s3 =	sadd.s32 s3, s9;
	s6 =	sadd.s32 @!p0 $0x88, s6;
	s7 =	simm.s32 @p2 $0x1082  }
0x22: {  	[simem:s7], [sflag:s8] =	dma.local @!p0 [hbm:s6], $0xF7A  }
0x23: {  	s9 =	sor.u32 $0xD0000000, s2;
	s6 =	simm.s32 $0x108;
	_ =	swait.ge @!p0 [sflag:s8], $0x0  }
0x24: {  	s3 =	sadd.s32 $0x88, s3;
	s6 =	simm.s32 @!p1 $0x1082;
	[sflag:s4] =	ssyncset.s32 $0xFFFFF086  }
0x25: {  	[simem:s6], [sflag:s4] =	dma.local [hbm:s3], $0xF7A  }
0x26: {  	[smem:$0x3F9E] =	sst s1;
	(tag) =	ssettag s2;
	_ =	strace s9  }
0x27: {  	s1 =	sld [smem:$0x3FAE]  }
0x28: {  	s2 =	sld [smem:$0x3FAF]  }
0x29: {  	s4 =	sld [smem:$0x3FB1]  }
0x2a: {  	p0 =	seq.s32 s5, $0x0;
	s5 =	sld [smem:$0x3FB2]  }
0x2b: {  	s6 =	sld [smem:$0x3FB3]  }
0x2c: {  	s7 =	sld [smem:$0x3FB4]  }
0x2d: {  	s3 =	simm.s32 $0x108;
	s8 =	sld [smem:$0x3FB5]  }
0x2e: {  	s3 =	simm.s32 @!p0 $0x1082;
	s9 =	sld [smem:$0x3FB6]  }
0x2f: {  	lr =	sadd.s32 s0, s3;
	s0 =	sld [smem:$0x3FAD]  }
0x30: {  	s3 =	sld [smem:$0x3FB0]  }
0x31: {  	[smem:$0x3FB9] =	sst s10  }
0x32: {  	s10 =	sld [smem:$0x3FB7];
	_ =	sdelay $0x3  }
0x33: {  	p0 =	seq.s32 s10, $0x1;
	s10 =	sld [smem:$0x3FB9];
	_ =	sdelay $0x3  }
0x34: {  	[smem:$0x3FB9] =	sst s10  }
0x35: {  	s10 =	sld [smem:$0x3FB8];
	_ =	sdelay $0x3  }
0x36: {  	p1 =	seq.s32 s10, $0x1;
	s10 =	sld [smem:$0x3FB9];
	_ =	sdelay $0x3  }
0x37: {  	[smem:$0x3FB9] =	sst s10  }
0x38: {  	s10 =	sld [smem:$0x3FBA]  }
0x39: {  	_ = 	snop;
	(pc) =	sbr.ind lr, $3  }
0x3a: {  	_ = 	snop  }
0x3b: {  	_ = 	snop  }
0x3c: {  	p2 =	seq.s32 s10, $0x1;
	s10 =	sld [smem:$0x3FB9]  }
0x3d: {  	_ =	shalt  }
0x3e: {  	_ =	shalt  }
0x3f: {  	_ =	shalt  }
0x40: {  	_ =	shalt  }
0x41: {  	_ =	shalt  }
0x42: {  	_ =	shalt  }
0x43: {  	_ =	shalt  }
0x44: {  	_ =	shalt  }
0x45: {  	_ =	shalt  }
0x46: {  	_ =	shalt  }
0x47: {  	_ =	shalt  }
0x48: {  	_ =	shalt  }
0x49: {  	_ =	shalt  }
0x4a: {  	_ =	shalt  }
0x4b: {  	_ =	shalt  }
0x4c: {  	_ =	shalt  }
0x4d: {  	_ =	shalt  }
0x4e: {  	_ =	shalt  }
0x4f: {  	_ =	shalt  }
0x50: {  	_ =	shalt  }
0x51: {  	_ =	shalt  }
0x52: {  	_ =	shalt  }
0x53: {  	_ =	shalt  }
0x54: {  	_ =	shalt  }
0x55: {  	_ =	shalt  }
0x56: {  	_ =	shalt  }
0x57: {  	_ =	shalt  }
0x58: {  	_ =	shalt  }
0x59: {  	_ =	shalt  }
0x5a: {  	_ =	shalt  }
0x5b: {  	_ =	shalt  }
0x5c: {  	_ =	shalt  }
0x5d: {  	_ =	shalt  }
0x5e: {  	_ =	shalt  }
0x5f: {  	_ =	shalt  }
0x60: {  	_ =	shalt  }
0x61: {  	_ =	shalt  }
0x62: {  	_ =	shalt  }
0x63: {  	_ =	shalt  }
0x64: {  	_ =	shalt  }
0x65: {  	_ =	shalt  }
0x66: {  	_ =	shalt  }
0x67: {  	_ =	shalt  }
0x68: {  	_ =	shalt  }
0x69: {  	_ =	shalt  }
0x6a: {  	_ =	shalt  }
0x6b: {  	_ =	shalt  }
0x6c: {  	_ =	shalt  }
0x6d: {  	_ =	shalt  }
0x6e: {  	_ =	shalt  }
0x6f: {  	_ =	shalt  }
0x70: {  	_ =	shalt  }
0x71: {  	_ =	shalt  }
0x72: {  	_ =	shalt  }
0x73: {  	_ =	shalt  }
0x74: {  	_ =	shalt  }
0x75: {  	_ =	shalt  }
0x76: {  	_ =	shalt  }
0x77: {  	_ =	shalt  }
0x78: {  	_ =	shalt  }
0x79: {  	_ =	shalt  }
0x7a: {  	_ =	shalt  }
0x7b: {  	_ =	shalt  }
0x7c: {  	_ =	shalt  }
0x7d: {  	_ =	shalt  }
0x7e: {  	_ =	shalt  }
0x7f: {  	_ =	shalt  }
0x80: {  	_ =	shalt  }
0x81: {  	_ =	shalt  }
0x82: {  	_ =	shalt  }
0x83: {  	_ =	shalt  }
0x84: {  	_ =	shalt  }
0x85: {  	_ =	shalt  }
0x86: {  	_ =	shalt  }
0x87: {  	_ =	shalt  }
.Lfunc_end0:
.L_simem_size_0:
called_computation_lowered:
.L_overlay_start_0:
0x88: {  	s2 =	sld [smem:$0x3FD9]  }
0x89: {  	s3 =	sld [smem:$0x3FFE];
	_ =	sdelay $0x1  }
0x8a: {  	s1 =	srdreg.scid  }
0x8b: {  	s0 =	sand.u32 $0x1, s1  }
0x8c: {  	s17 =	sshll.u32 s0, $0xA;
	s2 =	sadd.s32 s3, s2  }
0x8d: {  	s2 =	sadd.s32 s2, s17  }
0x8e: {  	[smem:$0x3FC5] =	sst s2  }
0x8f: {  	_ = 	snop  }
0x90: {  	s2 =	sld [smem:$0x3FC9]  }
0x91: {  	s18 =	sld [smem:$0x3FC8];
	(tm) =	ssettm $0x1  }
0x92: {  	s4 =	sld [smem:$0x3FFB];
	_ =	sdelay $0x3  }
0x93: {  	_ =	strace s4  }
0x94: {  	s4 =	sld [smem:$0x3FFC];
	_ =	sdelay $0x3  }
0x95: {  	_ =	strace s4  }
0x96: {  	s4 =	sld [smem:$0x3FFD];
	_ =	sdelay $0x3  }
0x97: {  	_ =	strace s4  }
0x98: {  	_ =	strace $0x8FFFFFFF  }
0x99: {  	s19 =	sld [smem:$0x3FDB];
	_ =	sdelay $0x1  }
0x9a: {  	s5 =	simm.s32 $_scs_section_size  }
0x9b: {  	s6 =	simm.s32 $_size__tile_overlayer_lowered;
	s7 =	simm.s32 $_tile_overlayer_lowered  }
0x9c: {  	s22 =	simm.s32 $0x1BFF;
	s21 =	sshll.u32 s7, $0x1;
	s4 =	sadd.s32 s5, s19  }
0x9d: {  	s8 =	simm.s32 $0x0;
	s20 =	sshll.u32 s6, $0x1;
	s6 =	sadd.s32 s21, s4  }
0x9e: {  	[timem:s8], [sflag:s22] =	dma.local [hbm:s6], s20  }
0x9f: {  	_ =	swait.ge [sflag:s22], s20  }
0xa0: {  	s5 =	ssub.s32 $0x0, s20;
	[sflag:s22] =	ssyncset.done $0x0  }
0xa1: {  	[sflag:s22] =	ssyncadd.s32 s5;
	_ =	sdelay $0x1  }
0xa2: {  	s23 =	simm.s32 $0x1B8B  }
0xa3: {  	_ =	swait.ge [sflag:s23], $0x1  }
0xa4: {  	[sflag:s23] =	ssyncset.done $0x0  }
0xa5: {  	s25 =	simm.s32 $0x1B8E;
	s24 =	sld [smem:$0x3FFE];
	[sflag:s23] =	ssyncadd.s32 $0xFFFFFFFF  }
0xa6: {  	s26 =	simm.s32 $execute0_lowered;
	[smem:$0x3FD2] =	sst s25  }
0xa7: {  	s6 =	sshll.u32 s26, $0x1;
	_ =	strace $0x80000046;
	[dreg:$0x1] =	wrdreg $0xFFFFFFFF  }
0xa8: {  	s28 =	simm.s32 $_size_execute0_lowered;
	s4 =	sadd.s32 s4, s6;
	[dreg:$0x0] =	wrdreg $0x0  }
0xa9: {  	s6 =	sshll.u32 s28, $0x1;
	[dreg:$0x2] =	wrdreg s4  }
0xaa: {  	[dreg:$0x3] =	wrdreg s6  }
0xab: {  	[dreg:$0x4] =	wrdreg $0xC0  }
0xac: {  	_ =	task [dreg:s8], $0x5FFFF  }
0xad: {  	[dreg:$0x1] =	wrdreg $0xFFFFFFFF  }
0xae: {  	[dreg:$0x0] =	wrdreg $0x60  }
0xaf: {  	[dreg:$0x2] =	wrdreg s2  }
0xb0: {  	[dreg:$0x3] =	wrdreg s18  }
0xb1: {  	[dreg:$0x4] =	wrdreg s24  }
0xb2: {  	[dreg:$0x5] =	wrdreg $0x9  }
0xb3: {  	_ =	task.clear_ibuf [dreg:s8], $0x6FFFF;
	_ =	strace $0x90000046  }
0xb4: {  	s29 =	simm.s32 $0x9;
	_ =	strace $0x80000048  }
0xb5: {  	_ =	swait.ge [sflag:s29], $0x1  }
0xb6: {  	[sflag:s29] =	ssyncadd.s32 $0xFFFFFFFF  }
0xb7: {  	_ =	strace $0x90000048  }
0xb8: {  	_ =	sfence  }
0xb9: {  	s30 =	sld [smem:$0x0];
	_ =	sdelay $0x2  }
0xba: {  	s31 =	sshll.u32 s1, $0xD;
	s1 =	sshrl.u32 s1, $0x2  }
0xbb: {  	s3 =	sand.u32 $0x4000, s31;
	s1 =	sadd.s32 s1, s30  }
0xbc: {  	s0 =	sor.u32 s3, s0;
	s1 =	sshll.u32 s1, $0x11  }
0xbd: {  	s0 =	sor.u32 s1, s0  }
0xbe: {  	s0 =	sadd.s32 $0x8F2B, s0  }
0xbf: {  	[sflag:s0] =	ssyncadd.remote.s32 $0x1  }
0xc0: {  	_ =	sfence.sel $0xFFFF  }
0xc1: {  	[dreg:$0x0] =	wrdreg $0xFFFFFFFF;
	(pc) =	sbr.abs _section_cstart, $3  }
0xc2: {  	[dreg:$0x1] =	wrdreg $0xFFFFFFFF  }
0xc3: {  	_ =	task.clear_ibuf [dreg:s8], $0x2FFFF;
	_ =	strace $0x9FFFFFFF  }
0xc4: {  	(tm) =	ssettm $0x7FFFFFFF  }
0xc5: {  	_ =	shalt  }
tec
execute0_lowered:
.L_overlay_start_1:
0x0: {  	(tag) =	ssettag $0x1  }
0x1: {  	v0 =	vimm.s32 $0x3EB80;
	vm0 =	vcmask $0x300  }
0x2: {  	s0 =	rddreg [dreg:$0x0];
	vm14 =	vcmask $0x704;
	v0 =	vsel vm0, $0x0, v0  }
0x3: {  	s4 =	rddreg [dreg:$0x1];
	vm15 =	vcmask $0xB08;
	v0 =	vsel vm14, $0x80, v0  }
0x4: {  	s5 =	rddreg [dreg:$0x2];
	s6 =	srdreg.scid;
	vm4 =	vcmask $0xF0C;
	v0 =	vsel vm15, $0x100, v0  }
0x5: {  	s1 =	stileid.u32;
	s3 =	simm.s32 $0x0;
	vm5 =	vcmask $0x1310;
	s16 =	simm.s32 $0x300;
	v0 =	vsel vm4, $0x180, v0  }
0x6: {  	vm6 =	vcmask $0x1714;
	s17 =	simm.s32 $0x400;
	s18 =	simm.s32 $0x500;
	s19 =	simm.s32 $0x1;
	v0 =	vsel vm5, $0x200, v0  }
0x7: {  	vm7 =	vcmask $0x1B18;
	s20 =	simm.s32 $0x2;
	s21 =	simm.s32 $0x3;
	s22 =	simm.s32 $0x1200;
	v0 =	vsel vm6, $0x280, v0  }
0x8: {  	vm8 =	vcmask $0x1F1C;
	s23 =	simm.s32 $0xE;
	s24 =	simm.s32 $0x0;
	s10 =	sand.u32 $0x1, s6;
	v0 =	vsel vm7, $0x300, v0  }
0x9: {  	vm9 =	vcmask $0x2320;
	s30 =	sshll.u32 s1, $0x1;
	[smem:$0x7FF] =	sst s3;
	s14 =	smul.u32 $0xFA0000, s1;
	v0 =	vsel vm8, $0x380, v0  }
0xa: {  	vm10 =	vcmask $0x2724;
	s11 =	sor.u32 s10, s30;
	_ =	strace $0x80000047;
	s7 =	ssub.s32 $0x2, s10;
	v0 =	vsel vm9, $0x3E800, v0  }
0xb: {  	vm11 =	vcmask $0x2B28;
	s15 =	smul.u32 $0x7D0000, s10;
	s6 =	sshll.u32 s11, $0x4;
	s31 =	sshrl.u32 s7, $0x1;
	v0 =	vsel vm10, $0x3E880, v0  }
0xc: {  	vm12 =	vcmask $0x2F2C;
	s8 =	sshll.u32 s11, $0x5;
	s10 =	smul.u32 $0x7D0000, s11;
	s12 =	sadd.s32 s6, s5;
	v0 =	vsel vm11, $0x3E900, v0  }
0xd: {  	vm13 =	vcmask $0x3330;
	s13 =	ssub.s32 s7, s31;
	s4 =	sadd.s32 s4, s8;
	s5 =	sadd.s32 s5, s8;
	v0 =	vsel vm12, $0x3E980, v0  }
0xe: {  	vm14 =	vcmask $0x3734;
	s6 =	sadd.s32 $0x400, s5;
	s7 =	sadd.s32 $0x800, s5;
	s8 =	sadd.s32 $0xC00, s5;
	v0 =	vsel vm13, $0x3EA00, v0  }
0xf: {  	vm15 =	vcmask $0x3B38;
	s9 =	sadd.s32 $0x1000, s5;
	s11 =	sadd.s32 $0x1400, s12;
	s12 =	smax.u32 s13, $0x1;
	v0 =	vsel vm14, $0x3EA80, v0  }
0x10: {  	s13 =	sadd.s32 s15, s14;
	s14 =	simm.s32 $0x100;
	s15 =	simm.s32 $0x200;
	v0 =	vsel vm15, $0x3EB00, v0  }
.LBB2_1:
0x11: {  	[tilespmem:s3], [sflag:$0x1] =	stream.linear.gather [hbm4b:s4+s3], $0x100, $0x38;
	[tilespmem:$0x1280] =	vst v63  }
0x12: {  	_ = 	snop  }
0x13: {  	[tilespmem:s14], [sflag:$0x1] =	stream.linear.gather [hbm4b:s5+s3], $0x100, $0x38;
	[tilespmem:$0x1280] =	vst v63  }
0x14: {  	_ = 	snop  }
0x15: {  	[tilespmem:s15], [sflag:$0x1] =	stream.linear.gather [hbm4b:s6+s3], $0x100, $0x38;
	[tilespmem:$0x1280] =	vst v63  }
0x16: {  	_ = 	snop  }
0x17: {  	[tilespmem:s16], [sflag:$0x1] =	stream.linear.gather [hbm4b:s7+s3], $0x100, $0x38;
	[tilespmem:$0x1280] =	vst v63  }
0x18: {  	_ = 	snop  }
0x19: {  	[tilespmem:s17], [sflag:$0x1] =	stream.linear.gather [hbm4b:s8+s3], $0x100, $0x38;
	[tilespmem:$0x1280] =	vst v63  }
0x1a: {  	_ = 	snop  }
0x1b: {  	[tilespmem:s18], [sflag:$0x1] =	stream.linear.gather [hbm4b:s9+s3], $0x100, $0x38;
	[tilespmem:$0x1280] =	vst v63  }
0x1c: {  	_ =	swait.ge [sflag:s19], $0x100  }
0x1d: {  	[sflag:s19] =	ssyncset.done $0x0  }
0x1e: {  	[sflag:s19] =	ssyncadd.s32 $0xFFFFFF00  }
0x1f: {  	v1 =	vld [tilespmem:s3+$0x0];
	_ =	sdelay $0x4  }
0x20: {  	v2 =	vand.u32 $0x7F, v1;
	v1 =	vshll.u32 v1, $0x3  }
0x21: {  	s25 =	sand.u32 $0x7, s3;
	v2 =	vadd.s32 s13, v2;
	v1 =	vand.u32 $0xFFFFFC00, v1  }
0x22: {  	p0 =	sne.s32 s25, $0x7;
	v1 =	vadd.s32 v1, v2  }
0x23: {  	s25 =	simm.s32 $0x600;
	s26 =	simm.s32 @!p0 $0x80;
	v1 =	vadd.s32 v0, v1  }
0x24: {  	s28 =	simm.s32 @!p0 $0xC00;
	s29 =	simm.s32 @!p0 $0x600;
	s30 =	simm.s32 @!p0 $0x2;
	[tilespmem:s25+$0x0] =	vst v1  }
0x25: {  	[tilespmem:s28], [sflag:s30] =	stream.indirect.gather @!p0 [hbm4b:s0+s26], $0x1, s29, s26, $0xb8;
	[tilespmem:$0x1280] =	vst v63  }
0x26: {  	s26 =	simm.s32 $0x1;
	s28 =	simm.s32 $0x10;
	s29 =	smov.u32 s13  }
.LBB2_2:
0x27: {  	v1 =	vld [tilespmem:s28+$0x0];
	s30 =	smov.u32 s26;
	s26 =	sadd.s32 $0x1, s26  }
0x28: {  	p0 =	sne.s32 s26, $0x10;
	_ =	sdelay $0x2  }
0x29: {  	s31 =	sand.u32 $0x7, s30  }
.Ltmp0:
0x2a: {  	s29 =	sadd.s32 $0x7D000, s29;
	p1 =	sne.s32 s31, $0x7;
	v2 =	vand.u32 $0x7F, v1;
	v1 =	vshll.u32 v1, $0x3;
	(pc) =	sbr.rel @p0 .LBB2_2-.Ltmp0, $4  }
0x2b: {  	s28 =	sadd.s32 $0x10, s28;
	s30 =	sshrl.u32 @!p1 s30, $0x3;
	v2 =	vadd.s32 s29, v2;
	v1 =	vand.u32 $0xFFFFFC00, v1  }
0x2c: {  	s25 =	sadd.s32 $0x10, s25;
	s1 =	simm.s32 @!p1 $0x80;
	s31 =	sshll.u32 @!p1 s30, $0x7;
	v1 =	vadd.s32 v1, v2  }
0x2d: {  	s30 =	sadd.s32 @!p1 $0x2, s30;
	s2 =	sadd.s32 @!p1 $0xC00, s31;
	s31 =	sadd.s32 @!p1 $0x600, s31;
	v1 =	vadd.s32 v0, v1  }
0x2e: {  	[tilespmem:s25+$0x0] =	vst v1;
	[tilespmem:s2], [sflag:s30] =	stream.indirect.gather @!p1 [hbm4b:s0+s1], $0x1, s31, s1, $0xb8  }
0x2f: {  	_ =	swait.ge [sflag:s19], $0x100  }
0x30: {  	[sflag:s19] =	ssyncset.done $0x0  }
0x31: {  	[sflag:s19] =	ssyncadd.s32 $0xFFFFFF00  }
0x32: {  	_ =	swait.ge [sflag:s19], $0x100  }
0x33: {  	[sflag:s19] =	ssyncset.done $0x0  }
0x34: {  	[sflag:s19] =	ssyncadd.s32 $0xFFFFFF00  }
0x35: {  	_ =	swait.ge [sflag:s19], $0x100  }
0x36: {  	[sflag:s19] =	ssyncset.done $0x0  }
0x37: {  	[sflag:s19] =	ssyncadd.s32 $0xFFFFFF00  }
0x38: {  	_ =	swait.ge [sflag:s19], $0x100  }
0x39: {  	[sflag:s19] =	ssyncset.done $0x0  }
0x3a: {  	[sflag:s19] =	ssyncadd.s32 $0xFFFFFF00  }
0x3b: {  	_ =	swait.ge [sflag:s19], $0x100  }
0x3c: {  	[sflag:s19] =	ssyncset.done $0x0  }
0x3d: {  	s1 =	simm.s32 $0x100;
	[sflag:s19] =	ssyncadd.s32 $0xFFFFFF00  }
0x3e: {  	v1 =	vld [tilespmem:s1+$0x0]  }
0x3f: {  	s25 =	simm.s32 $0x0  }
0x40: {  	s30 =	sand.u32 $0xF, s25  }
0x41: {  	s1 =	smul.u32 $0x7D000, s30;
	_ =	sdelay $0x1  }
0x42: {  	s1 =	sadd.s32 s10, s1;
	v2 =	vand.u32 $0x7F, v1;
	v1 =	vshll.u32 v1, $0x3  }
0x43: {  	s2 =	sand.u32 $0x7, s25;
	v2 =	vadd.s32 s1, v2;
	v1 =	vand.u32 $0xFFFFFC00, v1  }
0x44: {  	p0 =	sne.s32 s2, $0x7;
	v1 =	vadd.s32 v1, v2  }
0x45: {  	s31 =	sand.u32 $0x7F0, s25;
	s2 =	simm.s32 @!p0 $0x80;
	v1 =	vadd.s32 v0, v1  }
0x46: {  	s26 =	simm.s32 @!p0 $0xD00;
	s28 =	simm.s32 @!p0 $0x700;
	s29 =	simm.s32 @!p0 $0x4;
	[tilespmem:s31+$0x700] =	vst v1  }
0x47: {  	[tilespmem:s26], [sflag:s29] =	stream.indirect.gather @!p0 [hbm4b:s0+s2], $0x1, s28, s2, $0xb8;
	[tilespmem:$0x1280] =	vst v63  }
0x48: {  	s26 =	simm.s32 $0x1;
	s28 =	simm.s32 $0x110  }
.LBB2_4:
0x49: {  	v1 =	vld [tilespmem:s28+$0x0];
	s1 =	smov.u32 s26;
	s26 =	sadd.s32 $0x1, s26  }
0x4a: {  	p0 =	sne.s32 s26, $0x50  }
0x4b: {  	s2 =	sand.u32 $0xF, s1  }
0x4c: {  	s2 =	smul.u32 $0x7D000, s2  }
0x4d: {  	s29 =	sand.u32 $0x7, s1  }
.Ltmp1:
0x4e: {  	p1 =	sne.s32 s29, $0x7;
	s2 =	sadd.s32 s10, s2;
	v2 =	vand.u32 $0x7F, v1;
	v1 =	vshll.u32 v1, $0x3;
	(pc) =	sbr.rel @p0 .LBB2_4-.Ltmp1, $4  }
0x4f: {  	s28 =	sadd.s32 $0x10, s28;
	s25 =	sadd.s32 $0x10, s25;
	s1 =	sshrl.u32 @!p1 s1, $0x3;
	v2 =	vadd.s32 s2, v2;
	v1 =	vand.u32 $0xFFFFFC00, v1  }
0x50: {  	s30 =	simm.s32 @!p1 $0x80;
	s29 =	sshll.u32 @!p1 s1, $0x7;
	s2 =	sand.u32 $0x7F0, s25;
	v1 =	vadd.s32 v1, v2  }
0x51: {  	s1 =	sadd.s32 @!p1 $0x4, s1;
	s31 =	sadd.s32 @!p1 $0xD00, s29;
	s29 =	sadd.s32 @!p1 $0x700, s29;
	v1 =	vadd.s32 v0, v1  }
0x52: {  	[tilespmem:s2+$0x700] =	vst v1;
	[tilespmem:s31], [sflag:s1] =	stream.indirect.gather @!p1 [hbm4b:s0+s30], $0x1, s29, s30, $0xb8  }
0x53: {  	_ =	swait.ge [sflag:s20], $0x80  }
0x54: {  	[sflag:s20] =	ssyncset.done $0x0  }
0x55: {  	[sflag:s20] =	ssyncadd.s32 $0xFFFFFF80  }
0x56: {  	v1 =	vld [tilespmem:$0xC00]  }
0x57: {  	v2 =	vld [tilespmem:$0xC10]  }
0x58: {  	v3 =	vld [tilespmem:$0xC20]  }
0x59: {  	v4 =	vld [tilespmem:$0xC30]  }
0x5a: {  	v5 =	vld [tilespmem:$0xC40]  }
0x5b: {  	v6 =	vld [tilespmem:$0xC50]  }
0x5c: {  	v7 =	vld [tilespmem:$0xC60]  }
0x5d: {  	v8 =	vld [tilespmem:$0xC70];
	_ =	swait.ge [sflag:s21], $0x80  }
0x5e: {  	[sflag:s21] =	ssyncset.done $0x0  }
0x5f: {  	[sflag:s21] =	ssyncadd.s32 $0xFFFFFF80  }
0x60: {  	v9 =	vld [tilespmem:$0xC80]  }
0x61: {  	v10 =	vld [tilespmem:$0xC90]  }
0x62: {  	v11 =	vld [tilespmem:$0xCA0]  }
0x63: {  	v12 =	vld [tilespmem:$0xCB0]  }
0x64: {  	v13 =	vld [tilespmem:$0xCC0]  }
0x65: {  	v14 =	vld [tilespmem:$0xCD0]  }
0x66: {  	s1 =	simm.s32 $0x4;
	v15 =	vld [tilespmem:$0xCE0]  }
0x67: {  	v16 =	vld [tilespmem:$0xCF0];
	_ =	swait.ge [sflag:s1], $0x80  }
0x68: {  	[sflag:s1] =	ssyncset.done $0x0  }
0x69: {  	s2 =	simm.s32 $0xD70;
	[sflag:s1] =	ssyncadd.s32 $0xFFFFFF80  }
0x6a: {  	v1 =	vadd.f32 $0.0e+00, v1;
	v17 =	vld [tilespmem:s2+$0xFFFFFF90]  }
0x6b: {  	v18 =	vld [tilespmem:s2+$0xFFFFFFA0]  }
0x6c: {  	v19 =	vld [tilespmem:s2+$0xFFFFFFB0];
	v1 =	vadd.f32 v2, v1;
	v2 =	vadd.f32 $0.0e+00, v9  }
0x6d: {  	v20 =	vld [tilespmem:s2+$0xFFFFFFD0]  }
0x6e: {  	v62 =	vld [tilespmem:s2+$0xFFFFFFF0];
	v1 =	vadd.f32 v3, v1;
	v2 =	vadd.f32 v10, v2  }
0x6f: {  	v9 =	vld [tilespmem:s2+$0xFFFFFFC0];
	v10 =	vadd.f32 $0.0e+00, v17  }
0x70: {  	s31 =	simm.s32 $0x5;
	v3 =	vld [tilespmem:s2+$0xFFFFFFE0];
	v1 =	vadd.f32 v4, v1;
	v2 =	vadd.f32 v11, v2  }
0x71: {  	v11 =	vld [tilespmem:s2+$0x0];
	_ =	swait.ge [sflag:s31], $0x80;
	v4 =	vadd.f32 v18, v10  }
0x72: {  	v1 =	vadd.f32 v5, v1;
	[sflag:s31] =	ssyncset.done $0x0;
	v2 =	vadd.f32 v12, v2  }
0x73: {  	s25 =	simm.s32 $0xDF0;
	[sflag:s31] =	ssyncadd.s32 $0xFFFFFF80;
	v4 =	vadd.f32 v19, v4  }
0x74: {  	v1 =	vadd.f32 v6, v1;
	v5 =	vld [tilespmem:s25+$0xFFFFFF90];
	v2 =	vadd.f32 v13, v2  }
0x75: {  	v4 =	vadd.f32 v9, v4  }
0x76: {  	v9 =	vld [tilespmem:s25+$0xFFFFFFA0];
	v1 =	vadd.f32 v7, v1;
	v2 =	vadd.f32 v14, v2  }
0x77: {  	v10 =	vld [tilespmem:s25+$0xFFFFFFB0];
	v7 =	vadd.f32 v20, v4  }
0x78: {  	v6 =	vld [tilespmem:s25+$0xFFFFFFC0];
	v1 =	vadd.f32 v8, v1;
	v2 =	vadd.f32 v15, v2  }
0x79: {  	v4 =	vld [tilespmem:s25+$0xFFFFFFD0];
	v5 =	vadd.f32 $0.0e+00, v5;
	v7 =	vadd.f32 v3, v7  }
0x7a: {  	v3 =	vld [tilespmem:s25+$0xFFFFFFE0];
	v1 =	vadd.f32 $0.0e+00, v1;
	v8 =	vadd.f32 v16, v2  }
0x7b: {  	s26 =	simm.s32 $0x6;
	v2 =	vld [tilespmem:s25+$0xFFFFFFF0];
	v9 =	vadd.f32 v9, v5;
	v63 =	vadd.f32 v62, v7  }
0x7c: {  	v7 =	vld [tilespmem:s25+$0x0];
	_ =	swait.ge [sflag:s26], $0x80;
	v1 =	vadd.f32 v8, v1  }
0x7d: {  	s28 =	simm.s32 $0x14;
	v5 =	vimm.f32 $0.0e+00;
	[sflag:s26] =	ssyncset.done $0x0;
	v9 =	vadd.f32 v10, v9;
	v8 =	vadd.f32 v11, v63  }
.LBB2_6:
0x7e: {  	[sflag:s26] =	ssyncadd.s32 $0xFFFFFF80  }
0x7f: {  	s25 =	sadd.s32 $0x80, s25;
	v5 =	vadd.f32 v8, v5;
	s1 =	smov.u32 s28;
	s2 =	sadd.s32 $0x4, s28  }
0x80: {  	p0 =	sne.s32 s28, $0x2C;
	v8 =	vld [tilespmem:s25+$0xFFFFFF90];
	v6 =	vadd.f32 v6, v9  }
0x81: {  	v9 =	vld [tilespmem:s25+$0xFFFFFFA0];
	v10 =	vmov v7  }
0x82: {  	v11 =	vld [tilespmem:s25+$0xFFFFFFB0];
	v7 =	vadd.f32 v4, v6  }
0x83: {  	v6 =	vld [tilespmem:s25+$0xFFFFFFC0]  }
0x84: {  	v4 =	vld [tilespmem:s25+$0xFFFFFFD0];
	v7 =	vadd.f32 v3, v7  }
.Ltmp2:
0x85: {  	v8 =	vadd.f32 $0.0e+00, v8;
	v3 =	vld [tilespmem:s25+$0xFFFFFFE0];
	(pc) =	sbr.rel @p0 .LBB2_6-.Ltmp2, $4  }
0x86: {  	s1 =	sshra.s32 s1, $0x2;
	v12 =	vadd.f32 v2, v7;
	v2 =	vld [tilespmem:s25+$0xFFFFFFF0]  }
0x87: {  	s26 =	sadd.s32 $0x2, s1;
	v9 =	vadd.f32 v9, v8;
	v7 =	vld [tilespmem:s25+$0x0]  }
0x88: {  	_ =	swait.ge [sflag:s26], $0x80;
	v8 =	vadd.f32 v10, v12  }
0x89: {  	s28 =	smov.u32 s2;
	[sflag:s26] =	ssyncset.done $0x0;
	v9 =	vadd.f32 v11, v9  }
0x8a: {  	[sflag:s26] =	ssyncadd.s32 $0xFFFFFF80;
	s1 =	sadd.s32 $0x80, s25  }
0x8b: {  	v10 =	vld [tilespmem:s1+$0xFFFFFF90];
	_ =	sdelay $0x1  }
0x8c: {  	v11 =	vld [tilespmem:s1+$0xFFFFFFA0];
	_ =	sdelay $0x1  }
0x8d: {  	v12 =	vld [tilespmem:s1+$0xFFFFFFB0]  }
0x8e: {  	v10 =	vadd.f32 $0.0e+00, v10  }
0x8f: {  	v13 =	vld [tilespmem:s1+$0xFFFFFFC0]  }
0x90: {  	v10 =	vadd.f32 v11, v10  }
0x91: {  	v56 =	vld [tilespmem:s1+$0xFFFFFFD0]  }
0x92: {  	v6 =	vadd.f32 v6, v9;
	v57 =	vadd.f32 v12, v10  }
0x93: {  	v58 =	vld [tilespmem:s1+$0xFFFFFFE0]  }
0x94: {  	v4 =	vadd.f32 v4, v6;
	v59 =	vadd.f32 v13, v57  }
0x95: {  	v60 =	vld [tilespmem:s1+$0xFFFFFFF0]  }
0x96: {  	v3 =	vadd.f32 v3, v4;
	v61 =	vadd.f32 v56, v59  }
0x97: {  	v62 =	vld [tilespmem:s1+$0x0]  }
0x98: {  	v2 =	vadd.f32 v2, v3;
	v3 =	vadd.f32 v58, v61  }
0x99: {  	v63 =	vadd.f32 v8, v5  }
0x9a: {  	v2 =	vadd.f32 v7, v2;
	v3 =	vadd.f32 v60, v3;
	_ =	sdelay $0x1  }
0x9b: {  	v2 =	vadd.f32 v2, v63;
	v3 =	vadd.f32 v62, v3;
	_ =	sdelay $0x1  }
0x9c: {  	v2 =	vadd.f32 v3, v2;
	_ =	sdelay $0x1  }
0x9d: {  	v1 =	vmul.f32 $1.098632780e-04, v1;
	v2 =	vmul.f32 $2.441406200e-06, v2;
	_ =	sdelay $0x1  }
0x9e: {  	v1 =	vadd.f32 v2, v1;
	_ =	sdelay $0x1  }
0x9f: {  	s24 =	sadd.s32 $0x1, s24;
	v1 =	vsub.f32 $0.0e+00, v1  }
0xa0: {  	p0 =	sne.s32 s24, s12  }
.Ltmp3:
0xa1: {  	[tilespmem:$0x1200] =	vst v1;
	(pc) =	sbr.rel @p0 .LBB2_1-.Ltmp3, $4  }
0xa2: {  	[hbm4b:s11+s3] =	stream.linear.scatter [tilespmem:s22], [sflag:$0xE], $0x80, $0x38;
	[tilespmem:$0x1280] =	vst v63  }
0xa3: {  	_ =	swait.ge [sflag:s23], $0x80  }
0xa4: {  	[sflag:s23] =	ssyncset.done $0x0  }
0xa5: {  	[sflag:s23] =	ssyncadd.s32 $0xFFFFFF80  }
0xa6: {  	_ =	sfence.sel $0x180000  }
0xa7: {  	[bflag:$0x0] =	sbarrier.arrive $0xFFFF  }
0xa8: {  	_ =	strace $0x90000047  }
0xa9: {  	s0 =	stileid.u32;
	[bflag:$0x2] =	sbarrier.arrive $0xFFFF  }
0xaa: {  	p0 =	sne.s32 s0, $0x0;
	s0 =	rddreg [dreg:$0x3]  }
0xab: {  	s0 =	sadd.s32 @!p0 $0x100000, s0  }
0xac: {  	[sflag:s0] =	ssyncadd.tile.s32 @!p0 $0x1;
	_ =	shalt  }
.Lfunc_end2:
_tile_overlayer_lowered:
.L_overlay_start_2:
0xad: {  	(tag) =	ssettag $0x2  }
0xae: {  	s0 =	rddreg [dreg:$0x0];
	s2 =	stileid.u32  }
0xaf: {  	s1 =	rddreg [dreg:$0x1];
	p0 =	sne.s32 s2, $0x0  }
0xb0: {  	s3 =	rddreg [dreg:$0x2];
	[bflag:$0x3] =	sbarrier.arrive $0xFFFF;
	s2 =	simm.s32 @!p0 $0x1C0E  }
0xb1: {  	[timem:s3], [sflag:s2] =	dma.local @!p0 [hbm:s0], s1  }
0xb2: {  	s0 =	simm.s32 @!p0 $0xE  }
0xb3: {  	_ =	swait.ge @!p0 [sflag:s0], s1  }
0xb4: {  	s1 =	ssub.s32 @!p0 $0x0, s1;
	[sflag:s0] =	ssyncset.done @!p0 $0x0  }
0xb5: {  	[sflag:s0] =	ssyncadd.s32 @!p0 s1  }
0xb6: {  	[bflag:$0x3] =	sbarrier.arrive $0xFFFF  }
0xb7: {  	_ =	shalt  }

</sc_bundles>
